<compile_context>
chip_gen: v7x
topology: tpu7x:2x2x1
jax: 0.10.2.dev20260603
libtpu: 0.0.44.dev20260713+nightly
codegen_flags: <defaults>
</compile_context>

<pallas_src>
import functools

import numpy as np
import jax
import jax.numpy as jnp
from jax import lax
from jax.experimental import pallas as pl
from jax.experimental.pallas import tpu as pltpu
from jax.experimental.pallas import tpu_sc as plsc

_CONTEXT_WINDOW = 200
_EMBEDDING_DIM = 64
_LANES = 16
_BLK = 128


def _pe_np(context_window, embedding_dim):
    pos = np.arange(context_window, dtype=np.float32)[:, None]
    i = np.arange(embedding_dim, dtype=np.float32)[None, :]
    angle = pos / np.power(10000.0, i / embedding_dim)
    pe = np.where((np.arange(embedding_dim)[None, :] % 2) == 0,
                  np.sin(angle), np.cos(angle))
    return pe.astype(np.float32)


@functools.lru_cache(maxsize=None)
def _build_sc_call(B, D, b_per_w):
    mesh = plsc.VectorSubcoreMesh(core_axis_name="c", subcore_axis_name="s")
    info = plsc.get_sparse_core_info()
    nc = info.num_cores
    n_active = B // b_per_w

    @functools.partial(
        pl.kernel,
        mesh=mesh,
        out_type=jax.ShapeDtypeStruct((B * D,), jnp.float32),
        scratch_types=[
            pltpu.VMEM((2 * _LANES,), jnp.int32),
            pltpu.VMEM((b_per_w, D, _BLK), jnp.float32),
            pltpu.VMEM((b_per_w * D,), jnp.float32),
            pltpu.VMEM((b_per_w * D,), jnp.float32),
            pltpu.SemaphoreType.DMA,
            pltpu.SemaphoreType.DMA,
        ],
        compiler_params=pltpu.CompilerParams(needs_layout_passes=False),
    )
    def sc_embed(x_hbm, tab_t_hbm, pe_hbm, out_hbm, idx_v, blocks_v, rows_v,
                 pe_v, sem, sem_pe):
        wid = lax.axis_index("s") * nc + lax.axis_index("c")

        @pl.when(wid < n_active)
        def _():
            base = wid * b_per_w
            pe_cp = pltpu.async_copy(
                pe_hbm.at[pl.ds(base * D, b_per_w * D)], pe_v, sem_pe)
            pltpu.sync_copy(x_hbm.at[pl.ds(base, b_per_w)],
                            idx_v.at[pl.ds(0, b_per_w)])

            def _row_at(i):
                return idx_v[pl.ds(i, _LANES)][0]

            def issue(i, carry):
                row = _row_at(i)
                col = row & (_BLK - 1)
                blk = pl.multiple_of(row - col, _BLK)
                pltpu.async_copy(
                    tab_t_hbm.at[:, pl.ds(blk, _BLK)], blocks_v.at[i], sem)
                return carry

            lax.fori_loop(0, b_per_w, issue, 0)
            pe_cp.wait()

            def drain(i, carry):
                pltpu.make_async_copy(
                    tab_t_hbm.at[:, pl.ds(0, _BLK)], blocks_v.at[i], sem
                ).wait()
                return carry

            lax.fori_loop(0, b_per_w, drain, 0)
            lane = lax.iota(jnp.int32, _LANES)

            def select(i, carry):
                col_b = jnp.full((_LANES,), _row_at(i) & (_BLK - 1), jnp.int32)
                sel_i = jnp.full((_LANES,), i, jnp.int32)

                def chunk(j, c2):
                    s = pl.ds(i * D + j * _LANES, _LANES)
                    val = plsc.load_gather(
                        blocks_v, [sel_i, j * _LANES + lane, col_b])
                    rows_v[s] = val + pe_v[s]
                    return c2

                lax.fori_loop(0, D // _LANES, chunk, 0)
                return carry

            lax.fori_loop(0, b_per_w, select, 0)
            pltpu.sync_copy(rows_v, out_hbm.at[pl.ds(base * D, b_per_w * D)])

    return sc_embed


def kernel(x, table):
    pe = _pe_np(_CONTEXT_WINDOW, _EMBEDDING_DIM).reshape(-1)
    out = _build_sc_call(_CONTEXT_WINDOW, _EMBEDDING_DIM, 8)(
        x, table.T, jnp.asarray(pe))
    return out.reshape(_CONTEXT_WINDOW, _EMBEDDING_DIM)

# --- scband reference (transcript-rebuilt; emitter-appended) ---
"""Pipeline reference for scband-embedding-model-70016556859521 (READ-ONLY COPY).

The authoritative reference and input builder live on the scoring server;
editing this copy changes nothing except your own understanding.
"""

import jax, jax.numpy as jnp
import numpy as np

CONTEXT_WINDOW = 200
EMBEDDING_DIM = 64
VOCAB_SIZE = 1000000


def _positional_encodings(context_window, embedding_dim):
    pos = jnp.arange(context_window, dtype=jnp.float32)[:, None]
    i = jnp.arange(embedding_dim, dtype=jnp.float32)[None, :]
    angle = pos / jnp.power(10000.0, i / embedding_dim)
    # even indices -> sin(pos / 10000**(i/d)); odd indices j=i+1 -> cos(pos / 10000**(j/d))
    pe = jnp.where((jnp.arange(embedding_dim)[None, :] % 2) == 0, jnp.sin(angle), jnp.cos(angle))
    return pe.astype(jnp.float32)


def setup_inputs(seed: int = 0) -> dict:
    key = jax.random.key(seed)
    k_idx, k_tab = jax.random.split(key)
    x = jax.random.randint(k_idx, (CONTEXT_WINDOW,), 0, VOCAB_SIZE, dtype=jnp.int64 if jax.config.jax_enable_x64 else jnp.int32).astype(jnp.int32)
    table = jax.random.normal(k_tab, (VOCAB_SIZE, EMBEDDING_DIM), dtype=jnp.float32)
    return {"x": x, "table": table}


def reference(x, table):
    pe = _positional_encodings(CONTEXT_WINDOW, EMBEDDING_DIM)
    emb = jnp.take(table, x, axis=0)
    out = emb + pe
    return out

if __name__ == "__main__":
    import jax
    _d = setup_inputs()
    print(jax.jit(kernel)(*tuple(_d.values())))

</pallas_src>

<mosaic_0001>
#map = affine_map<(d0, d1) -> (0)>
#map1 = affine_map<(d0, d1) -> (0, 0)>
module attributes {stable_mosaic.version = 14 : i64} {
  func.func @sc_embed(%arg0: i32, %arg1: i32, %arg2: memref<200xi32, #tpu.memory_space<hbm>>, %arg3: memref<64x1000000xf32, #tpu.memory_space<hbm>>, %arg4: memref<12800xf32, #tpu.memory_space<hbm>>, %arg5: memref<12800xf32, #tpu.memory_space<hbm>>, %arg6: memref<32xi32, #tpu.memory_space<vmem>>, %arg7: memref<8x64x128xf32, #tpu.memory_space<vmem>>, %arg8: memref<512xf32, #tpu.memory_space<vmem>>, %arg9: memref<512xf32, #tpu.memory_space<vmem>>, %arg10: memref<!tpu.dma_semaphore, #tpu.memory_space<semaphore_mem>>, %arg11: memref<!tpu.dma_semaphore, #tpu.memory_space<semaphore_mem>>) attributes {dimension_semantics = [#tpu.dimension_semantics<core_parallel>, #tpu.dimension_semantics<subcore_parallel>], iteration_bounds = array<i64: 2, 16>, scalar_prefetch = 0 : i64, scratch_operands = 6 : i64, tpu.core_type = #tpu.core_type<sc_vector_subcore>, window_params = [{transform_indices = #map}, {transform_indices = #map1}, {transform_indices = #map}, {transform_indices = #map}]} {
    %mul3A = arith.constant 2 : i32
    %mul3A_0 = arith.muli %arg1, %mul3A : i32
    %add3A = arith.addi %mul3A_0, %arg0 : i32
    %lt3A = arith.constant 25 : i32
    %lt3A_1 = arith.cmpi slt, %add3A, %lt3A : i32
    %convert_element_type3A = arith.extui %lt3A_1 : i1 to i32
    %cond3A = arith.constant 0 : i32
    %cond3A_2 = arith.cmpi ne, %convert_element_type3A, %cond3A : i32
    scf.if %cond3A_2 {
      %mul3A_3 = arith.constant 8 : i32
      %mul3A_4 = arith.muli %add3A, %mul3A_3 : i32
      %mul3A_5 = arith.constant 64 : i32
      %mul3A_6 = arith.muli %mul3A_4, %mul3A_5 : i32
      %dma_start3A = tpu.memref_slice %arg4[%mul3A_6] : memref<12800xf32, #tpu.memory_space<hbm>> -> memref<512xf32, #tpu.memory_space<hbm>>
      %dma_start3A_7 = tpu.memref_slice %arg4[%mul3A_6] : memref<12800xf32, #tpu.memory_space<hbm>> -> memref<512xf32, #tpu.memory_space<hbm>>
      tpu.enqueue_dma source(%dma_start3A_7 : memref<512xf32, #tpu.memory_space<hbm>>) target(%arg9 : memref<512xf32, #tpu.memory_space<vmem>>) target_semaphore(%arg11 : memref<!tpu.dma_semaphore, #tpu.memory_space<semaphore_mem>>)
      "tpu.region"() ({
        %run_scoped3A = tpu.sem_alloc : memref<!tpu.dma_semaphore, #tpu.memory_space<semaphore_mem>>
        %dma_start3A_28 = arith.constant 0 : i32
        %dma_start3A_29 = tpu.memref_slice %arg6[%dma_start3A_28] : memref<32xi32, #tpu.memory_space<vmem>> -> memref<8xi32, #tpu.memory_space<vmem>>
        %dma_start3A_30 = tpu.memref_slice %arg2[%mul3A_4] : memref<200xi32, #tpu.memory_space<hbm>> -> memref<8xi32, #tpu.memory_space<hbm>>
        %dma_start3A_31 = arith.constant 0 : i32
        %dma_start3A_32 = tpu.memref_slice %arg6[%dma_start3A_31] : memref<32xi32, #tpu.memory_space<vmem>> -> memref<8xi32, #tpu.memory_space<vmem>>
        %dma_start3A_33 = tpu.memref_slice %arg2[%mul3A_4] : memref<200xi32, #tpu.memory_space<hbm>> -> memref<8xi32, #tpu.memory_space<hbm>>
        tpu.enqueue_dma source(%dma_start3A_33 : memref<8xi32, #tpu.memory_space<hbm>>) target(%dma_start3A_32 : memref<8xi32, #tpu.memory_space<vmem>>) target_semaphore(%run_scoped3A : memref<!tpu.dma_semaphore, #tpu.memory_space<semaphore_mem>>)
        %dma_wait3A_34 = arith.constant 0 : i32
        %dma_wait3A_35 = tpu.memref_slice %arg6[%dma_wait3A_34] : memref<32xi32, #tpu.memory_space<vmem>> -> memref<8xi32, #tpu.memory_space<vmem>>
        %dma_wait3A_36 = tpu.memref_slice %arg2[%mul3A_4] : memref<200xi32, #tpu.memory_space<hbm>> -> memref<8xi32, #tpu.memory_space<hbm>>
        %dma_wait3A_37 = arith.constant 0 : i32
        %dma_wait3A_38 = tpu.memref_slice %arg6[%dma_wait3A_37] : memref<32xi32, #tpu.memory_space<vmem>> -> memref<8xi32, #tpu.memory_space<vmem>>
        %dma_wait3A_39 = tpu.memref_slice %arg2[%mul3A_4] : memref<200xi32, #tpu.memory_space<hbm>> -> memref<8xi32, #tpu.memory_space<hbm>>
        tpu.wait_dma2 semaphore(%run_scoped3A : memref<!tpu.dma_semaphore, #tpu.memory_space<semaphore_mem>>) src(%dma_wait3A_39 : memref<8xi32, #tpu.memory_space<hbm>>) dst(%dma_wait3A_38 : memref<8xi32, #tpu.memory_space<vmem>>)
        tpu.yield
      }) : () -> ()
      %scan3A = arith.constant 0 : i32
      %scan3A_8 = arith.constant 0 : i32
      %scan3A_9 = arith.constant 8 : i32
      %scan3A_10 = arith.addi %scan3A_8, %scan3A_9 : i32
      %scan3A_11 = arith.constant 1 : i32
      scf.for %scan3A_28 = %scan3A_8 to %scan3A_10 step %scan3A_11  : i32 {
        %get3A = arith.index_cast %scan3A_28 : i32 to index
        %get3A_29 = tpu.vector_load %arg6[%get3A] {strides = array<i32>} : memref<32xi32, #tpu.memory_space<vmem>>, vector<16xi32>,
        %slice3A = vector.extract_strided_slice %get3A_29 {offsets = [0], sizes = [1], strides = [1]} : vector<16xi32> to vector<1xi32>
        %squeeze3A = vector.extract %slice3A[0] : i32 from vector<1xi32>
        %and3A = arith.constant 127 : i32
        %and3A_30 = arith.andi %squeeze3A, %and3A : i32
        %sub3A = arith.subi %squeeze3A, %and3A_30 : i32
        %multiple_of3A = tpu.assume_multiple %sub3A, 128 : i32
        %dma_start3A_31 = arith.constant 0 : i32
        %dma_start3A_32 = arith.constant 0 : i32
        %dma_start3A_33 = tpu.memref_slice %arg7[%scan3A_28, %dma_start3A_31, %dma_start3A_32] : memref<8x64x128xf32, #tpu.memory_space<vmem>> -> memref<1x64x128xf32, #tpu.memory_space<vmem>>
        %dma_start3A_34 = tpu.memref_squeeze %dma_start3A_33 : memref<1x64x128xf32, #tpu.memory_space<vmem>> -> memref<64x128xf32, #tpu.memory_space<vmem>>
        %dma_start3A_35 = arith.constant 0 : i32
        %dma_start3A_36 = tpu.memref_slice %arg3[%dma_start3A_35, %multiple_of3A] : memref<64x1000000xf32, #tpu.memory_space<hbm>> -> memref<64x128xf32, #tpu.memory_space<hbm>>
        %dma_start3A_37 = arith.constant 0 : i32
        %dma_start3A_38 = arith.constant 0 : i32
        %dma_start3A_39 = tpu.memref_slice %arg7[%scan3A_28, %dma_start3A_37, %dma_start3A_38] : memref<8x64x128xf32, #tpu.memory_space<vmem>> -> memref<1x64x128xf32, #tpu.memory_space<vmem>>
        %dma_start3A_40 = tpu.memref_squeeze %dma_start3A_39 : memref<1x64x128xf32, #tpu.memory_space<vmem>> -> memref<64x128xf32, #tpu.memory_space<vmem>>
        %dma_start3A_41 = arith.constant 0 : i32
        %dma_start3A_42 = tpu.memref_slice %arg3[%dma_start3A_41, %multiple_of3A] : memref<64x1000000xf32, #tpu.memory_space<hbm>> -> memref<64x128xf32, #tpu.memory_space<hbm>>
        tpu.enqueue_dma source(%dma_start3A_42 : memref<64x128xf32, #tpu.memory_space<hbm>>) target(%dma_start3A_40 : memref<64x128xf32, #tpu.memory_space<vmem>>) target_semaphore(%arg10 : memref<!tpu.dma_semaphore, #tpu.memory_space<semaphore_mem>>)
      }
      %scan3A_12 = arith.constant 8 : i32
      %dma_wait3A = tpu.memref_slice %arg4[%mul3A_6] : memref<12800xf32, #tpu.memory_space<hbm>> -> memref<512xf32, #tpu.memory_space<hbm>>
      %dma_wait3A_13 = tpu.memref_slice %arg4[%mul3A_6] : memref<12800xf32, #tpu.memory_space<hbm>> -> memref<512xf32, #tpu.memory_space<hbm>>
      tpu.wait_dma2 semaphore(%arg11 : memref<!tpu.dma_semaphore, #tpu.memory_space<semaphore_mem>>) src(%dma_wait3A_13 : memref<512xf32, #tpu.memory_space<hbm>>) dst(%arg9 : memref<512xf32, #tpu.memory_space<vmem>>)
      %scan3A_14 = arith.constant 0 : i32
      %scan3A_15 = arith.constant 0 : i32
      %scan3A_16 = arith.constant 8 : i32
      %scan3A_17 = arith.addi %scan3A_15, %scan3A_16 : i32
      %scan3A_18 = arith.constant 1 : i32
      scf.for %scan3A_28 = %scan3A_15 to %scan3A_17 step %scan3A_18  : i32 {
        %dma_wait3A_29 = arith.constant 0 : i32
        %dma_wait3A_30 = arith.constant 0 : i32
        %dma_wait3A_31 = tpu.memref_slice %arg7[%scan3A_28, %dma_wait3A_29, %dma_wait3A_30] : memref<8x64x128xf32, #tpu.memory_space<vmem>> -> memref<1x64x128xf32, #tpu.memory_space<vmem>>
        %dma_wait3A_32 = tpu.memref_squeeze %dma_wait3A_31 : memref<1x64x128xf32, #tpu.memory_space<vmem>> -> memref<64x128xf32, #tpu.memory_space<vmem>>
        %dma_wait3A_33 = arith.constant 0 : i32
        %dma_wait3A_34 = arith.constant 0 : i32
        %dma_wait3A_35 = tpu.memref_slice %arg3[%dma_wait3A_33, %dma_wait3A_34] : memref<64x1000000xf32, #tpu.memory_space<hbm>> -> memref<64x128xf32, #tpu.memory_space<hbm>>
        %dma_wait3A_36 = arith.constant 0 : i32
        %dma_wait3A_37 = arith.constant 0 : i32
        %dma_wait3A_38 = tpu.memref_slice %arg7[%scan3A_28, %dma_wait3A_36, %dma_wait3A_37] : memref<8x64x128xf32, #tpu.memory_space<vmem>> -> memref<1x64x128xf32, #tpu.memory_space<vmem>>
        %dma_wait3A_39 = tpu.memref_squeeze %dma_wait3A_38 : memref<1x64x128xf32, #tpu.memory_space<vmem>> -> memref<64x128xf32, #tpu.memory_space<vmem>>
        %dma_wait3A_40 = arith.constant 0 : i32
        %dma_wait3A_41 = arith.constant 0 : i32
        %dma_wait3A_42 = tpu.memref_slice %arg3[%dma_wait3A_40, %dma_wait3A_41] : memref<64x1000000xf32, #tpu.memory_space<hbm>> -> memref<64x128xf32, #tpu.memory_space<hbm>>
        tpu.wait_dma2 semaphore(%arg10 : memref<!tpu.dma_semaphore, #tpu.memory_space<semaphore_mem>>) src(%dma_wait3A_42 : memref<64x128xf32, #tpu.memory_space<hbm>>) dst(%dma_wait3A_39 : memref<64x128xf32, #tpu.memory_space<vmem>>)
      }
      %scan3A_19 = arith.constant 8 : i32
      %iota3A = tpu.iota {dimensions = array<i32: 0>} : vector<16xi32>
      %scan3A_20 = arith.constant 0 : i32
      %scan3A_21 = arith.constant 0 : i32
      %scan3A_22 = arith.constant 8 : i32
      %scan3A_23 = arith.addi %scan3A_21, %scan3A_22 : i32
      %scan3A_24 = arith.constant 1 : i32
      scf.for %scan3A_28 = %scan3A_21 to %scan3A_23 step %scan3A_24  : i32 {
        %get3A = arith.index_cast %scan3A_28 : i32 to index
        %get3A_29 = tpu.vector_load %arg6[%get3A] {strides = array<i32>} : memref<32xi32, #tpu.memory_space<vmem>>, vector<16xi32>,
        %slice3A = vector.extract_strided_slice %get3A_29 {offsets = [0], sizes = [1], strides = [1]} : vector<16xi32> to vector<1xi32>
        %squeeze3A = vector.extract %slice3A[0] : i32 from vector<1xi32>
        %and3A = arith.constant 127 : i32
        %and3A_30 = arith.andi %squeeze3A, %and3A : i32
        %broadcast_in_dim3A = vector.broadcast %and3A_30 : i32 to vector<16xi32>
        %broadcast_in_dim3A_31 = vector.broadcast %scan3A_28 : i32 to vector<16xi32>
        %scan3A_32 = arith.constant 0 : i32
        %scan3A_33 = arith.constant 0 : i32
        %scan3A_34 = arith.constant 4 : i32
        %scan3A_35 = arith.addi %scan3A_33, %scan3A_34 : i32
        %scan3A_36 = arith.constant 1 : i32
        scf.for %scan3A_38 = %scan3A_33 to %scan3A_35 step %scan3A_36  : i32 {
          %mul3A_39 = arith.constant 64 : i32
          %mul3A_40 = arith.muli %scan3A_28, %mul3A_39 : i32
          %mul3A_41 = arith.constant 16 : i32
          %mul3A_42 = arith.muli %scan3A_38, %mul3A_41 : i32
          %add3A_43 = arith.addi %mul3A_40, %mul3A_42 : i32
          %mul3A_44 = arith.constant 16 : i32
          %mul3A_45 = arith.muli %scan3A_38, %mul3A_44 : i32
          %add3A_46 = vector.broadcast %mul3A_45 : i32 to vector<16xi32>
          %add3A_47 = arith.addi %add3A_46, %iota3A : vector<16xi32>
          %gather3A = tpu.vector_load_idx %arg7[%broadcast_in_dim3A_31, %add3A_47, %broadcast_in_dim3A] : memref<8x64x128xf32, #tpu.memory_space<vmem>>[vector<16xi32>, vector<16xi32>, vector<16xi32>], vector<16xf32>,
          %get3A_48 = arith.index_cast %add3A_43 : i32 to index
          %get3A_49 = tpu.vector_load %arg9[%get3A_48] {strides = array<i32>} : memref<512xf32, #tpu.memory_space<vmem>>, vector<16xf32>,
          %add3A_50 = arith.addf %gather3A, %get3A_49 : vector<16xf32>
          %swap3A = arith.index_cast %add3A_43 : i32 to index
          %swap3A_51 = tpu.vector_load %arg8[%swap3A] {strides = array<i32>} : memref<512xf32, #tpu.memory_space<vmem>>, vector<16xf32>,
          tpu.vector_store %arg8[%swap3A], %add3A_50 {strides = array<i32>} : memref<512xf32, #tpu.memory_space<vmem>>, vector<16xf32>,
        }
        %scan3A_37 = arith.constant 4 : i32
      }
      %scan3A_25 = arith.constant 8 : i32
      %mul3A_26 = arith.constant 64 : i32
      %mul3A_27 = arith.muli %mul3A_4, %mul3A_26 : i32
      "tpu.region"() ({
        %run_scoped3A = tpu.sem_alloc : memref<!tpu.dma_semaphore, #tpu.memory_space<semaphore_mem>>
        %dma_start3A_28 = tpu.memref_slice %arg5[%mul3A_27] : memref<12800xf32, #tpu.memory_space<hbm>> -> memref<512xf32, #tpu.memory_space<hbm>>
        %dma_start3A_29 = tpu.memref_slice %arg5[%mul3A_27] : memref<12800xf32, #tpu.memory_space<hbm>> -> memref<512xf32, #tpu.memory_space<hbm>>
        tpu.enqueue_dma source(%arg8 : memref<512xf32, #tpu.memory_space<vmem>>) target(%dma_start3A_29 : memref<512xf32, #tpu.memory_space<hbm>>) target_semaphore(%run_scoped3A : memref<!tpu.dma_semaphore, #tpu.memory_space<semaphore_mem>>)
        %dma_wait3A_30 = tpu.memref_slice %arg5[%mul3A_27] : memref<12800xf32, #tpu.memory_space<hbm>> -> memref<512xf32, #tpu.memory_space<hbm>>
        %dma_wait3A_31 = tpu.memref_slice %arg5[%mul3A_27] : memref<12800xf32, #tpu.memory_space<hbm>> -> memref<512xf32, #tpu.memory_space<hbm>>
        tpu.wait_dma2 semaphore(%run_scoped3A : memref<!tpu.dma_semaphore, #tpu.memory_space<semaphore_mem>>) src(%arg8 : memref<512xf32, #tpu.memory_space<vmem>>) dst(%dma_wait3A_31 : memref<512xf32, #tpu.memory_space<hbm>>)
        tpu.yield
      }) : () -> ()
    } else {
    }
    return
  }
}

</mosaic_0001>

<sc_bundles>
// kernel: kernel.3.cloned.1.call-start
scs
__scs_entry_jumppad:
0x0: {  	(pc) =	sbr.rel $0x88, $3  }
0x1: {  	(tag) =	ssettag $0x0;
	lr =	simm.s32 $0x1  }
0x2: {  	[smem:$0x3F9F] =	sst lr;
	_ =	strace $0xD0000000  }
0x3: {  	_ = 	snop  }
0x4: {  	_ = 	snop  }
0x5: {  	_ = 	snop  }
0x6: {  	_ = 	snop  }
0x7: {  	_ = 	snop  }
__scs_overlays_trampoline_lowered:
0x8: {  	[smem:$0x3FAE] =	sst s0  }
0x9: {  	[smem:$0x3FAF] =	sst s1  }
0xa: {  	[smem:$0x3FB0] =	sst s2  }
0xb: {  	[smem:$0x3FB1] =	sst s3  }
0xc: {  	[smem:$0x3FB2] =	sst s4  }
0xd: {  	[smem:$0x3FB3] =	sst s5  }
0xe: {  	[smem:$0x3FB4] =	sst s6  }
0xf: {  	[smem:$0x3FB5] =	sst s7  }
0x10: {  	[smem:$0x3FB6] =	sst s8  }
0x11: {  	[smem:$0x3FB7] =	sst s9;
	s0 =	simm.s32 @!p0 $0x0  }
0x12: {  	s1 =	sld [smem:$0x3F9D];
	s0 =	simm.s32 @p0 $0x1  }
0x13: {  	[smem:$0x3FB8] =	sst s0;
	s0 =	simm.s32 @!p1 $0x0  }
0x14: {  	s2 =	sld [smem:$0x3F9C];
	s0 =	simm.s32 @p1 $0x1  }
0x15: {  	[smem:$0x3FB9] =	sst s0;
	s0 =	simm.s32 @!p2 $0x0  }
0x16: {  	s3 =	sld [smem:$0x3FDB];
	s0 =	simm.s32 @p2 $0x1  }
0x17: {  	s4 =	simm.s32 $0x1BF5;
	[smem:$0x3FBB] =	sst s0  }
0x18: {  	s0 =	sld [smem:$0x3F9E];
	_ =	swait.ge [sflag:s4], $0x0  }
0x19: {  	s7 =	sld [smem:$0x3F9F]  }
0x1a: {  	s8 =	sadd.s32 $0xFFFFE003, lr  }
0x1b: {  	s9 =	sadd.s32 $0xFFFFFEF7, lr;
	s5 =	simm.s32 $0xFFFFFFFF;
	p2 =	slt.u32 s8, $0xFFFFF086  }
0x1c: {  	p1 =	slt.u32 s9, $0xF7A;
	s5 =	simm.s32 @!p2 $0x0  }
0x1d: {  	s5 =	simm.s32 @p1 $0x1;
	p0 =	seq.s32 s7, s2  }
0x1e: {  	s7 =	smul.u32 @!p0 $0xF7A, s2;
	p2 =	seq.s32 @!p0 s5, $0x0  }
0x1f: {  	s9 =	smul.u32 $0xF7A, s1;
	s8 =	simm.s32 @!p0 $0x1BF5;
	p2 =	por !p2, p0  }
0x20: {  	[sflag:s8] =	ssyncset.s32 @!p0 $0xFFFFF086;
	s6 =	sadd.s32 @!p0 s3, s7;
	s7 =	simm.s32 @!p0 $0x108  }
0x21: {  	s3 =	sadd.s32 s3, s9;
	s6 =	sadd.s32 @!p0 $0x88, s6;
	s7 =	simm.s32 @p2 $0x1082  }
0x22: {  	[simem:s7], [sflag:s8] =	dma.local @!p0 [hbm:s6], $0xF7A  }
0x23: {  	s9 =	sor.u32 $0xD0000000, s2;
	s6 =	simm.s32 $0x108;
	_ =	swait.ge @!p0 [sflag:s8], $0x0  }
0x24: {  	s3 =	sadd.s32 $0x88, s3;
	s6 =	simm.s32 @!p1 $0x1082;
	[sflag:s4] =	ssyncset.s32 $0xFFFFF086  }
0x25: {  	[simem:s6], [sflag:s4] =	dma.local [hbm:s3], $0xF7A  }
0x26: {  	[smem:$0x3F9F] =	sst s1;
	(tag) =	ssettag s2;
	_ =	strace s9  }
0x27: {  	s1 =	sld [smem:$0x3FAF]  }
0x28: {  	s2 =	sld [smem:$0x3FB0]  }
0x29: {  	s4 =	sld [smem:$0x3FB2]  }
0x2a: {  	p0 =	seq.s32 s5, $0x0;
	s5 =	sld [smem:$0x3FB3]  }
0x2b: {  	s6 =	sld [smem:$0x3FB4]  }
0x2c: {  	s7 =	sld [smem:$0x3FB5]  }
0x2d: {  	s3 =	simm.s32 $0x108;
	s8 =	sld [smem:$0x3FB6]  }
0x2e: {  	s3 =	simm.s32 @!p0 $0x1082;
	s9 =	sld [smem:$0x3FB7]  }
0x2f: {  	lr =	sadd.s32 s0, s3;
	s0 =	sld [smem:$0x3FAE]  }
0x30: {  	s3 =	sld [smem:$0x3FB1]  }
0x31: {  	[smem:$0x3FBA] =	sst s10  }
0x32: {  	s10 =	sld [smem:$0x3FB8];
	_ =	sdelay $0x3  }
0x33: {  	p0 =	seq.s32 s10, $0x1;
	s10 =	sld [smem:$0x3FBA];
	_ =	sdelay $0x3  }
0x34: {  	[smem:$0x3FBA] =	sst s10  }
0x35: {  	s10 =	sld [smem:$0x3FB9];
	_ =	sdelay $0x3  }
0x36: {  	p1 =	seq.s32 s10, $0x1;
	s10 =	sld [smem:$0x3FBA];
	_ =	sdelay $0x3  }
0x37: {  	[smem:$0x3FBA] =	sst s10  }
0x38: {  	s10 =	sld [smem:$0x3FBB]  }
0x39: {  	_ = 	snop;
	(pc) =	sbr.ind lr, $3  }
0x3a: {  	_ = 	snop  }
0x3b: {  	_ = 	snop  }
0x3c: {  	p2 =	seq.s32 s10, $0x1;
	s10 =	sld [smem:$0x3FBA]  }
0x3d: {  	_ =	shalt  }
0x3e: {  	_ =	shalt  }
0x3f: {  	_ =	shalt  }
0x40: {  	_ =	shalt  }
0x41: {  	_ =	shalt  }
0x42: {  	_ =	shalt  }
0x43: {  	_ =	shalt  }
0x44: {  	_ =	shalt  }
0x45: {  	_ =	shalt  }
0x46: {  	_ =	shalt  }
0x47: {  	_ =	shalt  }
0x48: {  	_ =	shalt  }
0x49: {  	_ =	shalt  }
0x4a: {  	_ =	shalt  }
0x4b: {  	_ =	shalt  }
0x4c: {  	_ =	shalt  }
0x4d: {  	_ =	shalt  }
0x4e: {  	_ =	shalt  }
0x4f: {  	_ =	shalt  }
0x50: {  	_ =	shalt  }
0x51: {  	_ =	shalt  }
0x52: {  	_ =	shalt  }
0x53: {  	_ =	shalt  }
0x54: {  	_ =	shalt  }
0x55: {  	_ =	shalt  }
0x56: {  	_ =	shalt  }
0x57: {  	_ =	shalt  }
0x58: {  	_ =	shalt  }
0x59: {  	_ =	shalt  }
0x5a: {  	_ =	shalt  }
0x5b: {  	_ =	shalt  }
0x5c: {  	_ =	shalt  }
0x5d: {  	_ =	shalt  }
0x5e: {  	_ =	shalt  }
0x5f: {  	_ =	shalt  }
0x60: {  	_ =	shalt  }
0x61: {  	_ =	shalt  }
0x62: {  	_ =	shalt  }
0x63: {  	_ =	shalt  }
0x64: {  	_ =	shalt  }
0x65: {  	_ =	shalt  }
0x66: {  	_ =	shalt  }
0x67: {  	_ =	shalt  }
0x68: {  	_ =	shalt  }
0x69: {  	_ =	shalt  }
0x6a: {  	_ =	shalt  }
0x6b: {  	_ =	shalt  }
0x6c: {  	_ =	shalt  }
0x6d: {  	_ =	shalt  }
0x6e: {  	_ =	shalt  }
0x6f: {  	_ =	shalt  }
0x70: {  	_ =	shalt  }
0x71: {  	_ =	shalt  }
0x72: {  	_ =	shalt  }
0x73: {  	_ =	shalt  }
0x74: {  	_ =	shalt  }
0x75: {  	_ =	shalt  }
0x76: {  	_ =	shalt  }
0x77: {  	_ =	shalt  }
0x78: {  	_ =	shalt  }
0x79: {  	_ =	shalt  }
0x7a: {  	_ =	shalt  }
0x7b: {  	_ =	shalt  }
0x7c: {  	_ =	shalt  }
0x7d: {  	_ =	shalt  }
0x7e: {  	_ =	shalt  }
0x7f: {  	_ =	shalt  }
0x80: {  	_ =	shalt  }
0x81: {  	_ =	shalt  }
0x82: {  	_ =	shalt  }
0x83: {  	_ =	shalt  }
0x84: {  	_ =	shalt  }
0x85: {  	_ =	shalt  }
0x86: {  	_ =	shalt  }
0x87: {  	_ =	shalt  }
.Lfunc_end0:
.L_simem_size_0:
called_computation_lowered:
.L_overlay_start_0:
0x88: {  	s2 =	sld [smem:$0x3FD9]  }
0x89: {  	s3 =	sld [smem:$0x3FFE];
	_ =	sdelay $0x1  }
0x8a: {  	s1 =	srdreg.scid  }
0x8b: {  	s0 =	sand.u32 $0x1, s1  }
0x8c: {  	s17 =	sshll.u32 s0, $0xA;
	s2 =	sadd.s32 s3, s2  }
0x8d: {  	s2 =	sadd.s32 s2, s17  }
0x8e: {  	[smem:$0x3FC6] =	sst s2  }
0x8f: {  	_ = 	snop  }
0x90: {  	s2 =	sld [smem:$0x3FC9]  }
0x91: {  	s18 =	sld [smem:$0x3FC8]  }
0x92: {  	s4 =	sld [smem:$0x3FD0];
	(tm) =	ssettm $0x1  }
0x93: {  	s5 =	sld [smem:$0x3FFB];
	_ =	sdelay $0x3  }
0x94: {  	_ =	strace s5  }
0x95: {  	s5 =	sld [smem:$0x3FFC];
	_ =	sdelay $0x3  }
0x96: {  	_ =	strace s5  }
0x97: {  	s5 =	sld [smem:$0x3FFD];
	_ =	sdelay $0x3  }
0x98: {  	_ =	strace s5  }
0x99: {  	_ =	strace $0x8FFFFFFF  }
0x9a: {  	s19 =	sld [smem:$0x3FDB];
	_ =	sdelay $0x1  }
0x9b: {  	s6 =	simm.s32 $_scs_section_size  }
0x9c: {  	s7 =	simm.s32 $_size__tile_overlayer_lowered;
	s8 =	simm.s32 $_tile_overlayer_lowered  }
0x9d: {  	s22 =	simm.s32 $0x1BFF;
	s21 =	sshll.u32 s8, $0x1;
	s5 =	sadd.s32 s6, s19  }
0x9e: {  	s9 =	simm.s32 $0x0;
	s20 =	sshll.u32 s7, $0x1;
	s7 =	sadd.s32 s21, s5  }
0x9f: {  	[timem:s9], [sflag:s22] =	dma.local [hbm:s7], s20  }
0xa0: {  	_ =	swait.ge [sflag:s22], s20  }
0xa1: {  	s6 =	ssub.s32 $0x0, s20;
	[sflag:s22] =	ssyncset.done $0x0  }
0xa2: {  	[sflag:s22] =	ssyncadd.s32 s6;
	_ =	sdelay $0x1  }
0xa3: {  	s23 =	simm.s32 $0x1B8B  }
0xa4: {  	_ =	swait.ge [sflag:s23], $0x1  }
0xa5: {  	[sflag:s23] =	ssyncset.done $0x0  }
0xa6: {  	s25 =	simm.s32 $0x1B8E;
	s24 =	sld [smem:$0x3FFE];
	[sflag:s23] =	ssyncadd.s32 $0xFFFFFFFF  }
0xa7: {  	s26 =	simm.s32 $execute0_lowered;
	[smem:$0x3FD2] =	sst s25  }
0xa8: {  	s7 =	sshll.u32 s26, $0x1;
	_ =	strace $0x80000046;
	[dreg:$0x1] =	wrdreg $0xFFFFFFFF  }
0xa9: {  	s28 =	simm.s32 $_size_execute0_lowered;
	s5 =	sadd.s32 s5, s7;
	[dreg:$0x0] =	wrdreg $0x0  }
0xaa: {  	s7 =	sshll.u32 s28, $0x1;
	[dreg:$0x2] =	wrdreg s5  }
0xab: {  	[dreg:$0x3] =	wrdreg s7  }
0xac: {  	[dreg:$0x4] =	wrdreg $0xC0  }
0xad: {  	_ =	task [dreg:s9], $0x5FFFF  }
0xae: {  	[dreg:$0x1] =	wrdreg $0xFFFFFFFF  }
0xaf: {  	[dreg:$0x0] =	wrdreg $0x60  }
0xb0: {  	[dreg:$0x2] =	wrdreg s2  }
0xb1: {  	[dreg:$0x3] =	wrdreg s18  }
0xb2: {  	[dreg:$0x4] =	wrdreg s4  }
0xb3: {  	[dreg:$0x5] =	wrdreg s24  }
0xb4: {  	[dreg:$0x6] =	wrdreg $0x9  }
0xb5: {  	_ =	task.clear_ibuf [dreg:s9], $0x7FFFF;
	_ =	strace $0x90000046  }
0xb6: {  	s29 =	simm.s32 $0x9;
	_ =	strace $0x80000048  }
0xb7: {  	_ =	swait.ge [sflag:s29], $0x1  }
0xb8: {  	[sflag:s29] =	ssyncadd.s32 $0xFFFFFFFF  }
0xb9: {  	_ =	strace $0x90000048  }
0xba: {  	_ =	sfence  }
0xbb: {  	s30 =	sld [smem:$0x0];
	_ =	sdelay $0x2  }
0xbc: {  	s31 =	sshll.u32 s1, $0xD;
	s1 =	sshrl.u32 s1, $0x2  }
0xbd: {  	s3 =	sand.u32 $0x4000, s31;
	s1 =	sadd.s32 s1, s30  }
0xbe: {  	s0 =	sor.u32 s3, s0;
	s1 =	sshll.u32 s1, $0x11  }
0xbf: {  	s0 =	sor.u32 s1, s0  }
0xc0: {  	s0 =	sadd.s32 $0x8F2B, s0  }
0xc1: {  	[sflag:s0] =	ssyncadd.remote.s32 $0x1  }
0xc2: {  	_ =	sfence.sel $0xFFFF  }
0xc3: {  	[dreg:$0x0] =	wrdreg $0xFFFFFFFF;
	(pc) =	sbr.abs _section_cstart, $3  }
0xc4: {  	[dreg:$0x1] =	wrdreg $0xFFFFFFFF  }
0xc5: {  	_ =	task.clear_ibuf [dreg:s9], $0x2FFFF;
	_ =	strace $0x9FFFFFFF  }
0xc6: {  	(tm) =	ssettm $0x7FFFFFFF  }
0xc7: {  	_ =	shalt  }
tec
execute0_lowered:
.L_overlay_start_1:
0x0: {  	(tag) =	ssettag $0x1  }
0x1: {  	s2 =	srdreg.scid;
	s0 =	stileid.u32  }
0x2: {  	s8 =	sand.u32 $0x1, s2;
	s7 =	sshll.u32 s0, $0x1  }
0x3: {  	s7 =	sor.u32 s8, s7  }
0x4: {  	s5 =	rddreg [dreg:$0x0];
	p0 =	sgt.u32 s7, $0x18  }
.Ltmp0:
0x5: {  	s1 =	rddreg [dreg:$0x1];
	(pc) =	sbr.rel @p0 .LBB2_5-.Ltmp0, $4  }
0x6: {  	s6 =	rddreg [dreg:$0x2]  }
0x7: {  	s4 =	rddreg [dreg:$0x3];
	s3 =	simm.s32 $0x0  }
0x8: {  	[smem:$0x7FF] =	sst s3  }
0x9: {  	s2 =	rddreg [dreg:$0x4];
	_ =	strace $0x80000047  }
0xa: {  	s9 =	sshll.u32 s7, $0x6  }
0xb: {  	s8 =	ssub.s32 $0x2, s8;
	s5 =	sadd.s32 s5, s7;
	s11 =	simm.s32 $0x7A1400  }
0xc: {  	s12 =	simm.s32 $0x80;
	s13 =	simm.s32 $0x2080;
	s14 =	simm.s32 $0x4080  }
0xd: {  	s15 =	simm.s32 $0x6080;
	s16 =	simm.s32 $0x8080;
	s17 =	simm.s32 $0xA080  }
0xe: {  	s18 =	simm.s32 $0xC080;
	s19 =	simm.s32 $0xE080;
	s20 =	simm.s32 $0x2  }
0xf: {  	v0 =	vlaneseq.u32;
	s21 =	simm.s32 $0x1;
	s22 =	simm.s32 $0x10080;
	s23 =	simm.s32 $0x0  }
0x10: {  	s4 =	sadd.s32 s9, s4;
	s10 =	sshrl.u32 s8, $0x1;
	s6 =	sadd.s32 s6, s9;
	v0 =	vmul.u32 $0x80, v0  }
0x11: {  	s9 =	simm.s32 $0x3;
	s4 =	sadd.s32 $0x400, s4;
	s8 =	ssub.s32 s8, s10  }
0x12: {  	s10 =	simm.s32 $0x400;
	s7 =	smax.u32 s8, $0x1;
	s8 =	simm.s32 $0x10280;
	v1 =	vor.u32 $0x800, v0;
	v2 =	vor.u32 $0x1000, v0;
	v3 =	vor.u32 $0x1800, v0  }
.LBB2_2:
0x13: {  	s24 =	simm.s32 $0x0  }
0x14: {  	[tilespmem:s8], [sflag:$0x2] =	stream.linear.gather [hbm4b:s6+s24], $0x200, $0x38;
	[tilespmem:$0x10480] =	vst v63  }
0x15: {  	_ = 	snop  }
0x16: {  	[tilespmem:s24], [sflag:$0x3] =	stream.linear.gather [hbm4b:s5+s24], $0x8, $0x38;
	[tilespmem:$0x10480] =	vst v63  }
0x17: {  	_ =	swait.ge [sflag:s9], $0x8  }
0x18: {  	[sflag:s9] =	ssyncset.done $0x0  }
0x19: {  	[sflag:s9] =	ssyncadd.s32 $0xFFFFFFF8  }
0x1a: {  	v4 =	vld [tilespmem:$0x0];
	_ =	sdelay $0x4  }
0x1b: {  	(v2sf) =	vpush v4, $0x0;
	_ =	sdelay $0xe  }
0x1c: {  	s25 =	spop (v2sf)  }
0x1d: {  	s25 =	sand.u32 $0xFFFFF80, s25  }
0x1e: {  	s25 =	sadd.s32 s1, s25  }
0x1f: {  	[tilespmem:s12], [sflag:$0x1] =	stream.strided.gather [hbm4b:s25+s10], $0x2000, s11, s10, $0x38;
	[tilespmem:$0x10480] =	vst v63  }
0x20: {  	v4 =	vld [tilespmem:$0x1];
	_ =	sdelay $0x4  }
0x21: {  	(v2sf) =	vpush v4, $0x0;
	_ =	sdelay $0xe  }
0x22: {  	s26 =	spop (v2sf)  }
0x23: {  	s25 =	sand.u32 $0xFFFFF80, s26  }
0x24: {  	s25 =	sadd.s32 s1, s25  }
0x25: {  	[tilespmem:s13], [sflag:$0x1] =	stream.strided.gather [hbm4b:s25+s10], $0x2000, s11, s10, $0x38;
	[tilespmem:$0x10480] =	vst v63  }
0x26: {  	v4 =	vld [tilespmem:$0x2];
	_ =	sdelay $0x4  }
0x27: {  	(v2sf) =	vpush v4, $0x0;
	_ =	sdelay $0xe  }
0x28: {  	s29 =	spop (v2sf)  }
0x29: {  	s25 =	sand.u32 $0xFFFFF80, s29  }
0x2a: {  	s25 =	sadd.s32 s1, s25  }
0x2b: {  	[tilespmem:s14], [sflag:$0x1] =	stream.strided.gather [hbm4b:s25+s10], $0x2000, s11, s10, $0x38;
	[tilespmem:$0x10480] =	vst v63  }
0x2c: {  	v4 =	vld [tilespmem:$0x3];
	_ =	sdelay $0x4  }
0x2d: {  	(v2sf) =	vpush v4, $0x0;
	_ =	sdelay $0xe  }
0x2e: {  	s30 =	spop (v2sf)  }
0x2f: {  	s25 =	sand.u32 $0xFFFFF80, s30  }
0x30: {  	s25 =	sadd.s32 s1, s25  }
0x31: {  	[tilespmem:s15], [sflag:$0x1] =	stream.strided.gather [hbm4b:s25+s10], $0x2000, s11, s10, $0x38;
	[tilespmem:$0x10480] =	vst v63  }
0x32: {  	v4 =	vld [tilespmem:$0x4];
	_ =	sdelay $0x4  }
0x33: {  	(v2sf) =	vpush v4, $0x0;
	_ =	sdelay $0xe  }
0x34: {  	s31 =	spop (v2sf)  }
0x35: {  	s25 =	sand.u32 $0xFFFFF80, s31  }
0x36: {  	s25 =	sadd.s32 s1, s25  }
0x37: {  	[tilespmem:s16], [sflag:$0x1] =	stream.strided.gather [hbm4b:s25+s10], $0x2000, s11, s10, $0x38;
	[tilespmem:$0x10480] =	vst v63  }
0x38: {  	v4 =	vld [tilespmem:$0x5];
	_ =	sdelay $0x4  }
0x39: {  	(v2sf) =	vpush v4, $0x0;
	_ =	sdelay $0xe  }
0x3a: {  	s26 =	spop (v2sf)  }
0x3b: {  	s25 =	sand.u32 $0xFFFFF80, s26  }
0x3c: {  	s25 =	sadd.s32 s1, s25  }
0x3d: {  	[tilespmem:s17], [sflag:$0x1] =	stream.strided.gather [hbm4b:s25+s10], $0x2000, s11, s10, $0x38;
	[tilespmem:$0x10480] =	vst v63  }
0x3e: {  	v4 =	vld [tilespmem:$0x6];
	_ =	sdelay $0x4  }
0x3f: {  	(v2sf) =	vpush v4, $0x0;
	_ =	sdelay $0xe  }
0x40: {  	s29 =	spop (v2sf)  }
0x41: {  	s25 =	sand.u32 $0xFFFFF80, s29  }
0x42: {  	s25 =	sadd.s32 s1, s25  }
0x43: {  	[tilespmem:s18], [sflag:$0x1] =	stream.strided.gather [hbm4b:s25+s10], $0x2000, s11, s10, $0x38;
	[tilespmem:$0x10480] =	vst v63  }
0x44: {  	v4 =	vld [tilespmem:$0x7];
	_ =	sdelay $0x4  }
0x45: {  	(v2sf) =	vpush v4, $0x0;
	_ =	sdelay $0xe  }
0x46: {  	s30 =	spop (v2sf)  }
0x47: {  	s25 =	sand.u32 $0xFFFFF80, s30  }
0x48: {  	s25 =	sadd.s32 s1, s25  }
0x49: {  	[tilespmem:s19], [sflag:$0x1] =	stream.strided.gather [hbm4b:s25+s10], $0x2000, s11, s10, $0x38;
	[tilespmem:$0x10480] =	vst v63  }
0x4a: {  	_ =	swait.ge [sflag:s20], $0x200  }
0x4b: {  	[sflag:s20] =	ssyncset.done $0x0  }
0x4c: {  	[sflag:s20] =	ssyncadd.s32 $0xFFFFFE00  }
0x4d: {  	_ =	swait.ge [sflag:s21], $0x2000  }
0x4e: {  	[sflag:s21] =	ssyncset.done $0x0  }
0x4f: {  	[sflag:s21] =	ssyncadd.s32 $0xFFFFE000  }
0x50: {  	_ =	swait.ge [sflag:s21], $0x2000  }
0x51: {  	[sflag:s21] =	ssyncset.done $0x0  }
0x52: {  	[sflag:s21] =	ssyncadd.s32 $0xFFFFE000  }
0x53: {  	_ =	swait.ge [sflag:s21], $0x2000  }
0x54: {  	[sflag:s21] =	ssyncset.done $0x0  }
0x55: {  	[sflag:s21] =	ssyncadd.s32 $0xFFFFE000  }
0x56: {  	_ =	swait.ge [sflag:s21], $0x2000  }
0x57: {  	[sflag:s21] =	ssyncset.done $0x0  }
0x58: {  	[sflag:s21] =	ssyncadd.s32 $0xFFFFE000  }
0x59: {  	_ =	swait.ge [sflag:s21], $0x2000  }
0x5a: {  	[sflag:s21] =	ssyncset.done $0x0  }
0x5b: {  	[sflag:s21] =	ssyncadd.s32 $0xFFFFE000  }
0x5c: {  	_ =	swait.ge [sflag:s21], $0x2000  }
0x5d: {  	[sflag:s21] =	ssyncset.done $0x0  }
0x5e: {  	[sflag:s21] =	ssyncadd.s32 $0xFFFFE000  }
0x5f: {  	_ =	swait.ge [sflag:s21], $0x2000  }
0x60: {  	[sflag:s21] =	ssyncset.done $0x0  }
0x61: {  	[sflag:s21] =	ssyncadd.s32 $0xFFFFE000  }
0x62: {  	_ =	swait.ge [sflag:s21], $0x2000  }
0x63: {  	[sflag:s21] =	ssyncset.done $0x0  }
0x64: {  	[sflag:s21] =	ssyncadd.s32 $0xFFFFE000  }
0x65: {  	v4 =	vld [tilespmem:s24+$0x0];
	_ =	sdelay $0x4  }
0x66: {  	(v2sf) =	vpush v4, $0x0;
	_ =	sdelay $0xe  }
0x67: {  	s31 =	spop (v2sf)  }
0x68: {  	s26 =	simm.s32 $0x0;
	s25 =	sand.u32 $0x7F, s31  }
0x69: {  	s28 =	sor.u32 s26, s25  }
0x6a: {  	v4 =	vor.u32 s28, v0;
	_ =	sdelay $0x2  }
0x6b: {  	s25 =	simm.s32 $0x102A0  }
0x6c: {  	v5 =	vld [tilespmem:s25+$0xFFFFFFE0]  }
0x6d: {  	v4 =	vld.idx.msk [tilespmem:v4+s12+$0x0], $0xffff;
	_ =	sdelay $0x2  }
0x6e: {  	v6 =	vor.u32 s28, v1;
	_ =	sdelay $0x1  }
0x6f: {  	v4 =	vadd.f32 v5, v4  }
0x70: {  	s26 =	simm.s32 $0x100A0  }
0x71: {  	[tilespmem:s26+$0xFFFFFFE0] =	vst v4  }
0x72: {  	v4 =	vld.idx.msk [tilespmem:v6+s12+$0x0], $0xffff  }
0x73: {  	v5 =	vld [tilespmem:s25+$0xFFFFFFF0];
	_ =	sdelay $0x2  }
0x74: {  	v6 =	vor.u32 s28, v2;
	_ =	sdelay $0x1  }
0x75: {  	v4 =	vadd.f32 v5, v4;
	_ =	sdelay $0x1  }
0x76: {  	[tilespmem:s26+$0xFFFFFFF0] =	vst v4  }
0x77: {  	v4 =	vld.idx.msk [tilespmem:v6+s12+$0x0], $0xffff  }
0x78: {  	v5 =	vld [tilespmem:s25+$0x0];
	_ =	sdelay $0x2  }
0x79: {  	v6 =	vor.u32 s28, v3;
	_ =	sdelay $0x1  }
0x7a: {  	v4 =	vadd.f32 v5, v4;
	_ =	sdelay $0x1  }
0x7b: {  	[tilespmem:s26+$0x0] =	vst v4  }
0x7c: {  	v4 =	vld.idx.msk [tilespmem:v6+s12+$0x0], $0xffff  }
0x7d: {  	v5 =	vld [tilespmem:s25+$0x10];
	_ =	sdelay $0x4  }
0x7e: {  	s28 =	simm.s32 $0x1;
	v4 =	vadd.f32 v5, v4  }
.LBB2_3:
0x7f: {  	_ = 	snop  }
0x80: {  	s24 =	sadd.s32 $0x1, s24;
	s25 =	sadd.s32 $0x40, s25;
	[tilespmem:s26+$0x10] =	vst v4;
	s26 =	sadd.s32 $0x40, s26  }
0x81: {  	p0 =	sne.s32 s28, $0x7;
	s29 =	smov.u32 s28;
	s28 =	sadd.s32 $0x1, s28;
	v4 =	vld [tilespmem:s24+$0x0]  }
0x82: {  	_ =	sdelay $0x3  }
0x83: {  	(v2sf) =	vpush v4, $0x0;
	_ =	sdelay $0xe  }
0x84: {  	s30 =	spop (v2sf)  }
0x85: {  	s29 =	sshll.u32 s29, $0xD;
	s30 =	sand.u32 $0x7F, s30  }
0x86: {  	s29 =	sor.u32 s29, s30  }
0x87: {  	v4 =	vor.u32 s29, v0;
	_ =	sdelay $0x4  }
0x88: {  	v4 =	vld.idx.msk [tilespmem:v4+s12+$0x0], $0xffff  }
0x89: {  	v5 =	vld [tilespmem:s25+$0xFFFFFFE0];
	_ =	sdelay $0x2  }
0x8a: {  	v6 =	vor.u32 s29, v1;
	_ =	sdelay $0x1  }
0x8b: {  	v4 =	vadd.f32 v5, v4;
	_ =	sdelay $0x1  }
0x8c: {  	[tilespmem:s26+$0xFFFFFFE0] =	vst v4  }
0x8d: {  	v4 =	vld.idx.msk [tilespmem:v6+s12+$0x0], $0xffff  }
0x8e: {  	v5 =	vld [tilespmem:s25+$0xFFFFFFF0];
	_ =	sdelay $0x2  }
0x8f: {  	v6 =	vor.u32 s29, v2;
	_ =	sdelay $0x1  }
0x90: {  	v4 =	vadd.f32 v5, v4;
	_ =	sdelay $0x1  }
0x91: {  	[tilespmem:s26+$0xFFFFFFF0] =	vst v4  }
0x92: {  	v4 =	vld.idx.msk [tilespmem:v6+s12+$0x0], $0xffff  }
0x93: {  	v5 =	vld [tilespmem:s25+$0x0];
	_ =	sdelay $0x2  }
0x94: {  	v6 =	vor.u32 s29, v3;
	_ =	sdelay $0x1  }
0x95: {  	v4 =	vadd.f32 v5, v4;
	_ =	sdelay $0x1  }
0x96: {  	[tilespmem:s26+$0x0] =	vst v4  }
0x97: {  	v4 =	vld.idx.msk [tilespmem:v6+s12+$0x0], $0xffff  }
0x98: {  	v5 =	vld [tilespmem:s25+$0x10]  }
.Ltmp1:
0x99: {  	(pc) =	sbr.rel @p0 .LBB2_3-.Ltmp1, $2  }
0x9a: {  	_ =	sdelay $0x2  }
0x9b: {  	v4 =	vadd.f32 v5, v4  }
0x9c: {  	s23 =	sadd.s32 $0x1, s23  }
0x9d: {  	p0 =	sne.s32 s23, s7  }
.Ltmp2:
0x9e: {  	[tilespmem:s26+$0x10] =	vst v4;
	(pc) =	sbr.rel @p0 .LBB2_2-.Ltmp2, $4  }
0x9f: {  	[hbm4b:s4+s3] =	stream.linear.scatter [tilespmem:s22], [sflag:$0x3], $0x200, $0x38;
	[tilespmem:$0x10480] =	vst v63  }
0xa0: {  	_ =	swait.ge [sflag:s9], $0x200  }
0xa1: {  	[sflag:s9] =	ssyncset.done $0x0  }
0xa2: {  	[sflag:s9] =	ssyncadd.s32 $0xFFFFFE00  }
.LBB2_5:
0xa3: {  	_ =	sfence.sel $0x180000  }
0xa4: {  	[bflag:$0x0] =	sbarrier.arrive $0xFFFF  }
0xa5: {  	p0 =	sne.s32 s0, $0x0;
	_ =	strace $0x90000047  }
0xa6: {  	s0 =	sadd.s32 @!p0 $0x100000, s2;
	[bflag:$0x2] =	sbarrier.arrive $0xFFFF  }
0xa7: {  	[sflag:s0] =	ssyncadd.tile.s32 @!p0 $0x1;
	_ =	shalt  }
.Lfunc_end2:
_tile_overlayer_lowered:
.L_overlay_start_2:
0xa8: {  	(tag) =	ssettag $0x2  }
0xa9: {  	s0 =	rddreg [dreg:$0x0];
	s2 =	stileid.u32  }
0xaa: {  	s1 =	rddreg [dreg:$0x1];
	p0 =	sne.s32 s2, $0x0  }
0xab: {  	s3 =	rddreg [dreg:$0x2];
	[bflag:$0x3] =	sbarrier.arrive $0xFFFF;
	s2 =	simm.s32 @!p0 $0x1C03  }
0xac: {  	[timem:s3], [sflag:s2] =	dma.local @!p0 [hbm:s0], s1  }
0xad: {  	s0 =	simm.s32 @!p0 $0x3  }
0xae: {  	_ =	swait.ge @!p0 [sflag:s0], s1  }
0xaf: {  	s1 =	ssub.s32 @!p0 $0x0, s1;
	[sflag:s0] =	ssyncset.done @!p0 $0x0  }
0xb0: {  	[sflag:s0] =	ssyncadd.s32 @!p0 s1  }
0xb1: {  	[bflag:$0x3] =	sbarrier.arrive $0xFFFF  }
0xb2: {  	_ =	shalt  }

</sc_bundles>
